<compile_context>
chip_gen: v7x
topology: tpu7x:2x2x1
jax: 0.10.2.dev20260603
libtpu: 0.0.44.dev20260713+nightly
codegen_flags: <defaults>
</compile_context>

<pallas_src>
import functools

import jax
import jax.numpy as jnp
from jax import lax
from jax.experimental import pallas as pl
from jax.experimental.pallas import tpu as pltpu
from jax.experimental.pallas import tpu_sc as plsc

_VOCAB_TILE = 1280


def _sc_gather_rows(table, ids_padded, pad_b, d):
    info = plsc.get_sparse_core_info()
    num_workers = info.num_cores * info.num_subcores
    b_per_w = pad_b // num_workers
    mesh = plsc.VectorSubcoreMesh(core_axis_name="c", subcore_axis_name="s")

    @functools.partial(
        pl.kernel,
        mesh=mesh,
        out_type=jax.ShapeDtypeStruct((pad_b, d), jnp.float32),
        scratch_types=[
            pltpu.VMEM((b_per_w,), jnp.int32),
            pltpu.VMEM((b_per_w, d), jnp.float32),
            pltpu.SemaphoreType.DMA,
        ],
    )
    def gather_kernel(table_hbm, idx_hbm, out_hbm, idx_v, rows_v, sem):
        wid = lax.axis_index("s") * info.num_cores + lax.axis_index("c")
        base = wid * b_per_w
        pltpu.sync_copy(idx_hbm.at[pl.ds(base, b_per_w)], idx_v)
        pltpu.async_copy(table_hbm.at[idx_v], rows_v, sem).wait()
        pltpu.sync_copy(rows_v, out_hbm.at[pl.ds(base, b_per_w)])

    return gather_kernel(table, ids_padded)


def _mm_body(x_ref, w_ref, o_ref):
    x = x_ref[...].astype(jnp.bfloat16)
    w = w_ref[...].astype(jnp.bfloat16)
    res = jnp.dot(x, w, preferred_element_type=jnp.float32)
    o_ref[...] = res.reshape(o_ref.shape)


def _tc_matmul(x, w, b, tp):
    n, d = x.shape
    _, v = w.shape
    grid = (v // _VOCAB_TILE,)
    return pl.pallas_call(
        _mm_body,
        grid=grid,
        in_specs=[
            pl.BlockSpec((n, d), lambda j: (0, 0)),
            pl.BlockSpec((d, _VOCAB_TILE), lambda j: (0, j)),
        ],
        out_specs=pl.BlockSpec((b, tp, _VOCAB_TILE), lambda j: (0, 0, j)),
        out_shape=jax.ShapeDtypeStruct((b, tp, v), jnp.float32),
    )(x, w)


def kernel(tokenized_prompts, tokenized_text, visual_inputs, embed_table,
           prefix_prompt, mid_prompt, suffix_prompt, lm_head):
    b, t = tokenized_text.shape
    d = embed_table.shape[1]
    pad_b = b * t

    ids = jnp.pad(tokenized_text[:, 1:].astype(jnp.int32),
                  ((0, 0), (0, 1))).reshape(-1)
    rows = _sc_gather_rows(embed_table, ids, pad_b, d)
    return _tc_matmul(rows, lm_head, b, t)[:, :t - 1, :]

# --- scband reference (transcript-rebuilt; emitter-appended) ---
"""Pipeline reference for scband-base-text-decoder-74766790689582 (READ-ONLY COPY).

The authoritative reference and input builder live on the scoring server;
editing this copy changes nothing except your own understanding.
"""

import jax, jax.numpy as jnp
import numpy as np

VOCAB = 32000
D = 768
NP = 8

def setup_inputs(seed: int = 0) -> dict:
    key = jax.random.key(seed)
    ks = jax.random.split(key, 8)
    tokenized_prompts = jax.random.randint(ks[0], (4, 16), 0, VOCAB)
    tokenized_text = jax.random.randint(ks[1], (4, 256), 0, VOCAB)
    visual_inputs = jax.random.normal(ks[2], (4, 256, D), dtype=jnp.float32)
    embed_table = jax.random.normal(ks[3], (VOCAB, D), dtype=jnp.float32) * 0.02
    prefix_prompt = jax.random.normal(ks[4], (NP, D), dtype=jnp.float32) * 0.02
    mid_prompt = jax.random.normal(ks[5], (NP, D), dtype=jnp.float32) * 0.02
    suffix_prompt = jax.random.normal(ks[6], (NP, D), dtype=jnp.float32) * 0.02
    lm_head = jax.random.normal(ks[7], (D, VOCAB), dtype=jnp.float32) * 0.02
    return {
        'tokenized_prompts': tokenized_prompts,
        'tokenized_text': tokenized_text,
        'visual_inputs': visual_inputs,
        'embed_table': embed_table,
        'prefix_prompt': prefix_prompt,
        'mid_prompt': mid_prompt,
        'suffix_prompt': suffix_prompt,
        'lm_head': lm_head,
    }

def reference(tokenized_prompts, tokenized_text, visual_inputs, embed_table,
              prefix_prompt, mid_prompt, suffix_prompt, lm_head):
    B = tokenized_prompts.shape[0]
    P = tokenized_prompts.shape[1]
    V = visual_inputs.shape[1]
    # prepare_inputs: embedding lookups (SparseCore-style gather)
    text_inputs = jnp.take(embed_table, tokenized_prompts, axis=0)          # [B, P, D]
    text_targets = jnp.take(embed_table, tokenized_text, axis=0)[:, 1:, :]  # [B, T-1, D]
    start_token = text_inputs[:, 0:1, :]
    text_inputs = text_inputs[:, 1:, :]  # tokenizer_uses_end_token = False
    optional_start = start_token  # use_start_token_for_caption = True
    prefix_b = jnp.broadcast_to(prefix_prompt[None, :, :], (B, NP, D))
    mid_b = jnp.broadcast_to(mid_prompt[None, :, :], (B, NP, D))
    suffix_b = jnp.broadcast_to(suffix_prompt[None, :, :], (B, NP, D))
    # text_first=True ordering with learnable prompt tokens interleaved
    combined = jnp.concatenate([
        start_token, prefix_b, text_inputs, mid_b, visual_inputs,
        suffix_b, optional_start, text_targets
    ], axis=1)
    # llm stub: lm_head projection producing logits [B, S, VOCAB]
    logits = jnp.einsum('bsd,dv->bsv', combined, lm_head)
    total_num_skip = P + NP * 3 + V + 1
    return logits[:, total_num_skip:, :]

if __name__ == "__main__":
    import jax
    _d = setup_inputs()
    print(jax.jit(kernel)(*tuple(_d.values())))

</pallas_src>

<mosaic_0001>
#map = affine_map<(d0, d1) -> (0, 0)>
#map1 = affine_map<(d0, d1) -> (0)>
module attributes {stable_mosaic.version = 14 : i64} {
  func.func @gather_kernel(%arg0: i32, %arg1: i32, %arg2: memref<32000x768xf32, #tpu.memory_space<hbm>>, %arg3: memref<1024xi32, #tpu.memory_space<hbm>>, %arg4: memref<1024x768xf32, #tpu.memory_space<hbm>>, %arg5: memref<32xi32, #tpu.memory_space<vmem>>, %arg6: memref<32x768xf32, #tpu.memory_space<vmem>>, %arg7: memref<!tpu.dma_semaphore, #tpu.memory_space<semaphore_mem>>) attributes {dimension_semantics = [#tpu.dimension_semantics<core_parallel>, #tpu.dimension_semantics<subcore_parallel>], iteration_bounds = array<i64: 2, 16>, scalar_prefetch = 0 : i64, scratch_operands = 3 : i64, tpu.core_type = #tpu.core_type<sc_vector_subcore>, window_params = [{transform_indices = #map}, {transform_indices = #map1}, {transform_indices = #map}]} {
    %mul3A = arith.constant 2 : i32
    %mul3A_0 = arith.muli %arg1, %mul3A : i32
    %add3A = arith.addi %mul3A_0, %arg0 : i32
    %mul3A_1 = arith.constant 32 : i32
    %mul3A_2 = arith.muli %add3A, %mul3A_1 : i32
    "tpu.region"() ({
      %run_scoped3A = tpu.sem_alloc : memref<!tpu.dma_semaphore, #tpu.memory_space<semaphore_mem>>
      %dma_start3A_7 = tpu.memref_slice %arg3[%mul3A_2] : memref<1024xi32, #tpu.memory_space<hbm>> -> memref<32xi32, #tpu.memory_space<hbm>>
      %dma_start3A_8 = tpu.memref_slice %arg3[%mul3A_2] : memref<1024xi32, #tpu.memory_space<hbm>> -> memref<32xi32, #tpu.memory_space<hbm>>
      tpu.enqueue_dma source(%dma_start3A_8 : memref<32xi32, #tpu.memory_space<hbm>>) target(%arg5 : memref<32xi32, #tpu.memory_space<vmem>>) target_semaphore(%run_scoped3A : memref<!tpu.dma_semaphore, #tpu.memory_space<semaphore_mem>>)
      %dma_wait3A_9 = tpu.memref_slice %arg3[%mul3A_2] : memref<1024xi32, #tpu.memory_space<hbm>> -> memref<32xi32, #tpu.memory_space<hbm>>
      %dma_wait3A_10 = tpu.memref_slice %arg3[%mul3A_2] : memref<1024xi32, #tpu.memory_space<hbm>> -> memref<32xi32, #tpu.memory_space<hbm>>
      tpu.wait_dma2 semaphore(%run_scoped3A : memref<!tpu.dma_semaphore, #tpu.memory_space<semaphore_mem>>) src(%dma_wait3A_10 : memref<32xi32, #tpu.memory_space<hbm>>) dst(%arg5 : memref<32xi32, #tpu.memory_space<vmem>>)
      tpu.yield
    }) : () -> ()
    %dma_start3A = arith.constant 0 : i32
    %dma_start3A_3 = arith.constant 0 : i32
    %dma_start3A_4 = tpu.memref_slice %arg2[%dma_start3A, %dma_start3A_3] : memref<32000x768xf32, #tpu.memory_space<hbm>> -> memref<32000x768xf32, #tpu.memory_space<hbm>>
    tpu.enqueue_indirect_dma source(%dma_start3A_4 : memref<32000x768xf32, #tpu.memory_space<hbm>>) target(%arg6 : memref<32x768xf32, #tpu.memory_space<vmem>>) offsets(%arg5 : memref<32xi32, #tpu.memory_space<vmem>>) semaphore(%arg7 : memref<!tpu.dma_semaphore, #tpu.memory_space<semaphore_mem>>)
    %dma_wait3A = arith.constant 0 : i32
    %dma_wait3A_5 = arith.constant 0 : i32
    %dma_wait3A_6 = tpu.memref_slice %arg2[%dma_wait3A, %dma_wait3A_5] : memref<32000x768xf32, #tpu.memory_space<hbm>> -> memref<32000x768xf32, #tpu.memory_space<hbm>>
    tpu.wait_indirect_dma semaphore(%arg7 : memref<!tpu.dma_semaphore, #tpu.memory_space<semaphore_mem>>) src(%dma_wait3A_6 : memref<32000x768xf32, #tpu.memory_space<hbm>>) dst(%arg6 : memref<32x768xf32, #tpu.memory_space<vmem>>)
    "tpu.region"() ({
      %run_scoped3A = tpu.sem_alloc : memref<!tpu.dma_semaphore, #tpu.memory_space<semaphore_mem>>
      %dma_start3A_7 = arith.constant 0 : i32
      %dma_start3A_8 = tpu.memref_slice %arg4[%mul3A_2, %dma_start3A_7] : memref<1024x768xf32, #tpu.memory_space<hbm>> -> memref<32x768xf32, #tpu.memory_space<hbm>>
      %dma_start3A_9 = arith.constant 0 : i32
      %dma_start3A_10 = tpu.memref_slice %arg4[%mul3A_2, %dma_start3A_9] : memref<1024x768xf32, #tpu.memory_space<hbm>> -> memref<32x768xf32, #tpu.memory_space<hbm>>
      tpu.enqueue_dma source(%arg6 : memref<32x768xf32, #tpu.memory_space<vmem>>) target(%dma_start3A_10 : memref<32x768xf32, #tpu.memory_space<hbm>>) target_semaphore(%run_scoped3A : memref<!tpu.dma_semaphore, #tpu.memory_space<semaphore_mem>>)
      %dma_wait3A_11 = arith.constant 0 : i32
      %dma_wait3A_12 = tpu.memref_slice %arg4[%mul3A_2, %dma_wait3A_11] : memref<1024x768xf32, #tpu.memory_space<hbm>> -> memref<32x768xf32, #tpu.memory_space<hbm>>
      %dma_wait3A_13 = arith.constant 0 : i32
      %dma_wait3A_14 = tpu.memref_slice %arg4[%mul3A_2, %dma_wait3A_13] : memref<1024x768xf32, #tpu.memory_space<hbm>> -> memref<32x768xf32, #tpu.memory_space<hbm>>
      tpu.wait_dma2 semaphore(%run_scoped3A : memref<!tpu.dma_semaphore, #tpu.memory_space<semaphore_mem>>) src(%arg6 : memref<32x768xf32, #tpu.memory_space<vmem>>) dst(%dma_wait3A_14 : memref<32x768xf32, #tpu.memory_space<hbm>>)
      tpu.yield
    }) : () -> ()
    return
  }
}

module attributes {stable_mosaic.version = 14 : i64} {
  func.func @_mm_body(%arg0: i32, %arg1: memref<1024x768xf32, #tpu.memory_space<vmem>>, %arg2: memref<768x1280xf32, #tpu.memory_space<vmem>>, %arg3: memref<4x256x1280xf32, #tpu.memory_space<vmem>>) attributes {dimension_semantics = [#tpu.dimension_semantics<arbitrary>], iteration_bounds = array<i64: 25>, scalar_prefetch = 0 : i64, scratch_operands = 0 : i64, tpu.core_type = #tpu.core_type<tc>, window_params = [{pipeline_mode = #tpu.pipeline_mode<synchronous>, transform_indices = @transform_0, window_bounds = array<i64: 1024, 768>}, {transform_indices = @transform_1, window_bounds = array<i64: 768, 1280>}, {transform_indices = @transform_2, window_bounds = array<i64: 4, 256, 1280>}]} {
    %get3A = arith.constant 0 : index
    %get3A_0 = arith.constant 0 : index
    %get3A_1 = vector.load %arg1[%get3A, %get3A_0] : memref<1024x768xf32, #tpu.memory_space<vmem>>, vector<1024x768xf32>
    %convert_element_type3A = arith.truncf %get3A_1 : vector<1024x768xf32> to vector<1024x768xbf16>
    %get3A_2 = arith.constant 0 : index
    %get3A_3 = arith.constant 0 : index
    %get3A_4 = vector.load %arg2[%get3A_2, %get3A_3] : memref<768x1280xf32, #tpu.memory_space<vmem>>, vector<768x1280xf32>
    %convert_element_type3A_5 = arith.truncf %get3A_4 : vector<768x1280xf32> to vector<768x1280xbf16>
    %dot_general3A = arith.constant dense<0.000000e+00> : vector<1024x1280xf32>
    %dot_general3A_6 = tpu.matmul %convert_element_type3A, %convert_element_type3A_5, %dot_general3A {dimension_numbers = #tpu.dot_dimension_numbers<[1], [0], [0], [1], [0, 0, 1, 1], [], []>, transpose_lhs_hint = false} : vector<1024x768xbf16>, vector<768x1280xbf16>, vector<1024x1280xf32> -> vector<1024x1280xf32>
    %reshape3A = vector.shape_cast %dot_general3A_6 : vector<1024x1280xf32> to vector<4x256x1280xf32>
    %swap3A = arith.constant 0 : index
    %swap3A_7 = arith.constant 0 : index
    %swap3A_8 = arith.constant 0 : index
    %swap3A_9 = vector.load %arg3[%swap3A, %swap3A_7, %swap3A_8] : memref<4x256x1280xf32, #tpu.memory_space<vmem>>, vector<4x256x1280xf32>
    tpu.vector_store %arg3[%swap3A, %swap3A_7, %swap3A_8], %reshape3A {strides = array<i32>} : memref<4x256x1280xf32, #tpu.memory_space<vmem>>, vector<4x256x1280xf32>,
    return
  }
  func.func @transform_0(%arg0: i32) -> (i32, i32) {
    %c0_i32 = arith.constant 0 : i32
    %c0_i32_0 = arith.constant 0 : i32
    %c0_i32_1 = arith.constant 0 : i32
    return %c0_i32, %c0_i32_0 : i32, i32
  }
  func.func @transform_1(%arg0: i32) -> (i32, i32) {
    %c0_i32 = arith.constant 0 : i32
    %c0_i32_0 = arith.constant 0 : i32
    return %c0_i32, %arg0 : i32, i32
  }
  func.func @transform_2(%arg0: i32) -> (i32, i32, i32) {
    %c0_i32 = arith.constant 0 : i32
    %c0_i32_0 = arith.constant 0 : i32
    %c0_i32_1 = arith.constant 0 : i32
    return %c0_i32, %c0_i32_0, %arg0 : i32, i32, i32
  }
}

</mosaic_0001>

<sc_bundles>
// kernel: kernel.4.cloned.1.call-start
scs
__scs_entry_jumppad:
0x0: {  	(pc) =	sbr.rel $0x88, $3  }
0x1: {  	(tag) =	ssettag $0x0;
	lr =	simm.s32 $0x1  }
0x2: {  	[smem:$0x3F9E] =	sst lr;
	_ =	strace $0xD0000000  }
0x3: {  	_ = 	snop  }
0x4: {  	_ = 	snop  }
0x5: {  	_ = 	snop  }
0x6: {  	_ = 	snop  }
0x7: {  	_ = 	snop  }
__scs_overlays_trampoline_lowered:
0x8: {  	[smem:$0x3FAD] =	sst s0  }
0x9: {  	[smem:$0x3FAE] =	sst s1  }
0xa: {  	[smem:$0x3FAF] =	sst s2  }
0xb: {  	[smem:$0x3FB0] =	sst s3  }
0xc: {  	[smem:$0x3FB1] =	sst s4  }
0xd: {  	[smem:$0x3FB2] =	sst s5  }
0xe: {  	[smem:$0x3FB3] =	sst s6  }
0xf: {  	[smem:$0x3FB4] =	sst s7  }
0x10: {  	[smem:$0x3FB5] =	sst s8  }
0x11: {  	[smem:$0x3FB6] =	sst s9;
	s0 =	simm.s32 @!p0 $0x0  }
0x12: {  	s1 =	sld [smem:$0x3F9C];
	s0 =	simm.s32 @p0 $0x1  }
0x13: {  	[smem:$0x3FB7] =	sst s0;
	s0 =	simm.s32 @!p1 $0x0  }
0x14: {  	s2 =	sld [smem:$0x3F9B];
	s0 =	simm.s32 @p1 $0x1  }
0x15: {  	[smem:$0x3FB8] =	sst s0;
	s0 =	simm.s32 @!p2 $0x0  }
0x16: {  	s3 =	sld [smem:$0x3FDB];
	s0 =	simm.s32 @p2 $0x1  }
0x17: {  	s4 =	simm.s32 $0x1BF5;
	[smem:$0x3FBA] =	sst s0  }
0x18: {  	s0 =	sld [smem:$0x3F9D];
	_ =	swait.ge [sflag:s4], $0x0  }
0x19: {  	s7 =	sld [smem:$0x3F9E]  }
0x1a: {  	s8 =	sadd.s32 $0xFFFFE003, lr  }
0x1b: {  	s9 =	sadd.s32 $0xFFFFFEF7, lr;
	s5 =	simm.s32 $0xFFFFFFFF;
	p2 =	slt.u32 s8, $0xFFFFF086  }
0x1c: {  	p1 =	slt.u32 s9, $0xF7A;
	s5 =	simm.s32 @!p2 $0x0  }
0x1d: {  	s5 =	simm.s32 @p1 $0x1;
	p0 =	seq.s32 s7, s2  }
0x1e: {  	s7 =	smul.u32 @!p0 $0xF7A, s2;
	p2 =	seq.s32 @!p0 s5, $0x0  }
0x1f: {  	s9 =	smul.u32 $0xF7A, s1;
	s8 =	simm.s32 @!p0 $0x1BF5;
	p2 =	por !p2, p0  }
0x20: {  	[sflag:s8] =	ssyncset.s32 @!p0 $0xFFFFF086;
	s6 =	sadd.s32 @!p0 s3, s7;
	s7 =	simm.s32 @!p0 $0x108  }
0x21: {  	s3 =	sadd.s32 s3, s9;
	s6 =	sadd.s32 @!p0 $0x88, s6;
	s7 =	simm.s32 @p2 $0x1082  }
0x22: {  	[simem:s7], [sflag:s8] =	dma.local @!p0 [hbm:s6], $0xF7A  }
0x23: {  	s9 =	sor.u32 $0xD0000000, s2;
	s6 =	simm.s32 $0x108;
	_ =	swait.ge @!p0 [sflag:s8], $0x0  }
0x24: {  	s3 =	sadd.s32 $0x88, s3;
	s6 =	simm.s32 @!p1 $0x1082;
	[sflag:s4] =	ssyncset.s32 $0xFFFFF086  }
0x25: {  	[simem:s6], [sflag:s4] =	dma.local [hbm:s3], $0xF7A  }
0x26: {  	[smem:$0x3F9E] =	sst s1;
	(tag) =	ssettag s2;
	_ =	strace s9  }
0x27: {  	s1 =	sld [smem:$0x3FAE]  }
0x28: {  	s2 =	sld [smem:$0x3FAF]  }
0x29: {  	s4 =	sld [smem:$0x3FB1]  }
0x2a: {  	p0 =	seq.s32 s5, $0x0;
	s5 =	sld [smem:$0x3FB2]  }
0x2b: {  	s6 =	sld [smem:$0x3FB3]  }
0x2c: {  	s7 =	sld [smem:$0x3FB4]  }
0x2d: {  	s3 =	simm.s32 $0x108;
	s8 =	sld [smem:$0x3FB5]  }
0x2e: {  	s3 =	simm.s32 @!p0 $0x1082;
	s9 =	sld [smem:$0x3FB6]  }
0x2f: {  	lr =	sadd.s32 s0, s3;
	s0 =	sld [smem:$0x3FAD]  }
0x30: {  	s3 =	sld [smem:$0x3FB0]  }
0x31: {  	[smem:$0x3FB9] =	sst s10  }
0x32: {  	s10 =	sld [smem:$0x3FB7];
	_ =	sdelay $0x3  }
0x33: {  	p0 =	seq.s32 s10, $0x1;
	s10 =	sld [smem:$0x3FB9];
	_ =	sdelay $0x3  }
0x34: {  	[smem:$0x3FB9] =	sst s10  }
0x35: {  	s10 =	sld [smem:$0x3FB8];
	_ =	sdelay $0x3  }
0x36: {  	p1 =	seq.s32 s10, $0x1;
	s10 =	sld [smem:$0x3FB9];
	_ =	sdelay $0x3  }
0x37: {  	[smem:$0x3FB9] =	sst s10  }
0x38: {  	s10 =	sld [smem:$0x3FBA]  }
0x39: {  	_ = 	snop;
	(pc) =	sbr.ind lr, $3  }
0x3a: {  	_ = 	snop  }
0x3b: {  	_ = 	snop  }
0x3c: {  	p2 =	seq.s32 s10, $0x1;
	s10 =	sld [smem:$0x3FB9]  }
0x3d: {  	_ =	shalt  }
0x3e: {  	_ =	shalt  }
0x3f: {  	_ =	shalt  }
0x40: {  	_ =	shalt  }
0x41: {  	_ =	shalt  }
0x42: {  	_ =	shalt  }
0x43: {  	_ =	shalt  }
0x44: {  	_ =	shalt  }
0x45: {  	_ =	shalt  }
0x46: {  	_ =	shalt  }
0x47: {  	_ =	shalt  }
0x48: {  	_ =	shalt  }
0x49: {  	_ =	shalt  }
0x4a: {  	_ =	shalt  }
0x4b: {  	_ =	shalt  }
0x4c: {  	_ =	shalt  }
0x4d: {  	_ =	shalt  }
0x4e: {  	_ =	shalt  }
0x4f: {  	_ =	shalt  }
0x50: {  	_ =	shalt  }
0x51: {  	_ =	shalt  }
0x52: {  	_ =	shalt  }
0x53: {  	_ =	shalt  }
0x54: {  	_ =	shalt  }
0x55: {  	_ =	shalt  }
0x56: {  	_ =	shalt  }
0x57: {  	_ =	shalt  }
0x58: {  	_ =	shalt  }
0x59: {  	_ =	shalt  }
0x5a: {  	_ =	shalt  }
0x5b: {  	_ =	shalt  }
0x5c: {  	_ =	shalt  }
0x5d: {  	_ =	shalt  }
0x5e: {  	_ =	shalt  }
0x5f: {  	_ =	shalt  }
0x60: {  	_ =	shalt  }
0x61: {  	_ =	shalt  }
0x62: {  	_ =	shalt  }
0x63: {  	_ =	shalt  }
0x64: {  	_ =	shalt  }
0x65: {  	_ =	shalt  }
0x66: {  	_ =	shalt  }
0x67: {  	_ =	shalt  }
0x68: {  	_ =	shalt  }
0x69: {  	_ =	shalt  }
0x6a: {  	_ =	shalt  }
0x6b: {  	_ =	shalt  }
0x6c: {  	_ =	shalt  }
0x6d: {  	_ =	shalt  }
0x6e: {  	_ =	shalt  }
0x6f: {  	_ =	shalt  }
0x70: {  	_ =	shalt  }
0x71: {  	_ =	shalt  }
0x72: {  	_ =	shalt  }
0x73: {  	_ =	shalt  }
0x74: {  	_ =	shalt  }
0x75: {  	_ =	shalt  }
0x76: {  	_ =	shalt  }
0x77: {  	_ =	shalt  }
0x78: {  	_ =	shalt  }
0x79: {  	_ =	shalt  }
0x7a: {  	_ =	shalt  }
0x7b: {  	_ =	shalt  }
0x7c: {  	_ =	shalt  }
0x7d: {  	_ =	shalt  }
0x7e: {  	_ =	shalt  }
0x7f: {  	_ =	shalt  }
0x80: {  	_ =	shalt  }
0x81: {  	_ =	shalt  }
0x82: {  	_ =	shalt  }
0x83: {  	_ =	shalt  }
0x84: {  	_ =	shalt  }
0x85: {  	_ =	shalt  }
0x86: {  	_ =	shalt  }
0x87: {  	_ =	shalt  }
.Lfunc_end0:
.L_simem_size_0:
called_computation.1_lowered:
.L_overlay_start_0:
0x88: {  	s2 =	sld [smem:$0x3FD9]  }
0x89: {  	s3 =	sld [smem:$0x3FFE];
	_ =	sdelay $0x1  }
0x8a: {  	s1 =	srdreg.scid  }
0x8b: {  	s0 =	sand.u32 $0x1, s1  }
0x8c: {  	s17 =	sshll.u32 s0, $0xA;
	s2 =	sadd.s32 s3, s2  }
0x8d: {  	s2 =	sadd.s32 s2, s17  }
0x8e: {  	[smem:$0x3FC5] =	sst s2  }
0x8f: {  	_ = 	snop  }
0x90: {  	s2 =	sld [smem:$0x3FC8]  }
0x91: {  	s18 =	sld [smem:$0x3FD0];
	(tm) =	ssettm $0x1  }
0x92: {  	s4 =	sld [smem:$0x3FFB];
	_ =	sdelay $0x3  }
0x93: {  	_ =	strace s4  }
0x94: {  	s4 =	sld [smem:$0x3FFC];
	_ =	sdelay $0x3  }
0x95: {  	_ =	strace s4  }
0x96: {  	s4 =	sld [smem:$0x3FFD];
	_ =	sdelay $0x3  }
0x97: {  	_ =	strace s4  }
0x98: {  	_ =	strace $0x8FFFFFFF  }
0x99: {  	s19 =	sld [smem:$0x3FDB];
	_ =	sdelay $0x1  }
0x9a: {  	s5 =	simm.s32 $_scs_section_size  }
0x9b: {  	s6 =	simm.s32 $_size__tile_overlayer_lowered;
	s7 =	simm.s32 $_tile_overlayer_lowered  }
0x9c: {  	s22 =	simm.s32 $0x1BFF;
	s21 =	sshll.u32 s7, $0x1;
	s4 =	sadd.s32 s5, s19  }
0x9d: {  	s8 =	simm.s32 $0x0;
	s20 =	sshll.u32 s6, $0x1;
	s6 =	sadd.s32 s21, s4  }
0x9e: {  	[timem:s8], [sflag:s22] =	dma.local [hbm:s6], s20  }
0x9f: {  	_ =	swait.ge [sflag:s22], s20  }
0xa0: {  	s5 =	ssub.s32 $0x0, s20;
	[sflag:s22] =	ssyncset.done $0x0  }
0xa1: {  	[sflag:s22] =	ssyncadd.s32 s5;
	_ =	sdelay $0x1  }
0xa2: {  	s23 =	simm.s32 $0x1B8B  }
0xa3: {  	_ =	swait.ge [sflag:s23], $0x1  }
0xa4: {  	[sflag:s23] =	ssyncset.done $0x0  }
0xa5: {  	s25 =	simm.s32 $0x1B8E;
	s24 =	sld [smem:$0x3FFE];
	[sflag:s23] =	ssyncadd.s32 $0xFFFFFFFF  }
0xa6: {  	s26 =	simm.s32 $execute0_lowered;
	[smem:$0x3FD2] =	sst s25  }
0xa7: {  	s6 =	sshll.u32 s26, $0x1;
	_ =	strace $0x80000046;
	[dreg:$0x1] =	wrdreg $0xFFFFFFFF  }
0xa8: {  	s28 =	simm.s32 $_size_execute0_lowered;
	s4 =	sadd.s32 s4, s6;
	[dreg:$0x0] =	wrdreg $0x0  }
0xa9: {  	s6 =	sshll.u32 s28, $0x1;
	[dreg:$0x2] =	wrdreg s4  }
0xaa: {  	[dreg:$0x3] =	wrdreg s6  }
0xab: {  	[dreg:$0x4] =	wrdreg $0xC0  }
0xac: {  	_ =	task [dreg:s8], $0x5FFFF  }
0xad: {  	[dreg:$0x1] =	wrdreg $0xFFFFFFFF  }
0xae: {  	[dreg:$0x0] =	wrdreg $0x60  }
0xaf: {  	[dreg:$0x2] =	wrdreg s2  }
0xb0: {  	[dreg:$0x3] =	wrdreg s24  }
0xb1: {  	[dreg:$0x4] =	wrdreg s18  }
0xb2: {  	[dreg:$0x5] =	wrdreg $0x9  }
0xb3: {  	_ =	task.clear_ibuf [dreg:s8], $0x6FFFF;
	_ =	strace $0x90000046  }
0xb4: {  	s29 =	simm.s32 $0x9;
	_ =	strace $0x80000048  }
0xb5: {  	_ =	swait.ge [sflag:s29], $0x1  }
0xb6: {  	[sflag:s29] =	ssyncadd.s32 $0xFFFFFFFF  }
0xb7: {  	_ =	strace $0x90000048  }
0xb8: {  	_ =	sfence  }
0xb9: {  	s30 =	sld [smem:$0x0];
	_ =	sdelay $0x2  }
0xba: {  	s31 =	sshll.u32 s1, $0xD;
	s1 =	sshrl.u32 s1, $0x2  }
0xbb: {  	s3 =	sand.u32 $0x4000, s31;
	s1 =	sadd.s32 s1, s30  }
0xbc: {  	s0 =	sor.u32 s3, s0;
	s1 =	sshll.u32 s1, $0x11  }
0xbd: {  	s0 =	sor.u32 s1, s0  }
0xbe: {  	s0 =	sadd.s32 $0x8F2B, s0  }
0xbf: {  	[sflag:s0] =	ssyncadd.remote.s32 $0x1  }
0xc0: {  	_ =	sfence.sel $0xFFFF  }
0xc1: {  	[dreg:$0x0] =	wrdreg $0xFFFFFFFF;
	(pc) =	sbr.abs _section_cstart, $3  }
0xc2: {  	[dreg:$0x1] =	wrdreg $0xFFFFFFFF  }
0xc3: {  	_ =	task.clear_ibuf [dreg:s8], $0x2FFFF;
	_ =	strace $0x9FFFFFFF  }
0xc4: {  	(tm) =	ssettm $0x7FFFFFFF  }
0xc5: {  	_ =	shalt  }
tec
execute0_lowered:
.L_overlay_start_1:
0x0: {  	(tag) =	ssettag $0x1  }
0x1: {  	s1 =	rddreg [dreg:$0x0]  }
0x2: {  	s4 =	rddreg [dreg:$0x1]  }
0x3: {  	s7 =	rddreg [dreg:$0x2];
	s3 =	srdreg.scid  }
0x4: {  	s0 =	rddreg [dreg:$0x3];
	s2 =	stileid.u32;
	s10 =	simm.s32 $0x80  }
0x5: {  	s11 =	simm.s32 $0x880;
	s12 =	simm.s32 $0x1080;
	s13 =	simm.s32 $0x1880  }
0x6: {  	s14 =	simm.s32 $0x2080;
	s15 =	simm.s32 $0x2880;
	s16 =	simm.s32 $0x3080  }
0x7: {  	s17 =	simm.s32 $0x3880;
	s18 =	simm.s32 $0x4080;
	s19 =	simm.s32 $0x4880  }
0x8: {  	s20 =	simm.s32 $0x5080;
	s21 =	simm.s32 $0x5880;
	s22 =	simm.s32 $0x1  }
0x9: {  	s5 =	sand.u32 $0x1, s3;
	s3 =	simm.s32 $0x0;
	s6 =	sshll.u32 s2, $0x3  }
0xa: {  	s8 =	sshll.u32 s5, $0x2;
	[smem:$0x7FF] =	sst s3;
	s5 =	ssub.s32 $0x2, s5  }
0xb: {  	s6 =	sor.u32 s8, s6;
	s31 =	sshrl.u32 s5, $0x1;
	_ =	strace $0x80000047  }
0xc: {  	v2 =	vlaneseq.u32;
	s4 =	sadd.s32 s6, s4;
	s9 =	smul.u32 $0x300, s6;
	s8 =	ssub.s32 s5, s31  }
0xd: {  	vm0 =	vmmov $0xffff;
	v1 =	vshrl.u32 v2, $0x3;
	s5 =	sadd.s32 $0x100, s1;
	s6 =	sadd.s32 $0x200, s1;
	s4 =	sadd.s32 $0xA00, s4  }
0xe: {  	v0 =	vand.u32 $0x7, v2;
	v2 =	vor.u32 $0x8, v2;
	v1 =	vmul.u32 $0x8, v1;
	s8 =	smax.u32 s8, $0x1;
	s7 =	sadd.s32 s7, s9;
	s9 =	simm.s32 $0x2  }
.LBB2_1:
0xf: {  	[tilespmem:s3], [sflag:$0x2] =	stream.linear.gather [hbm4b:s4+s3], $0x20, $0x38;
	[tilespmem:$0x6080] =	vst v63  }
0x10: {  	_ =	swait.ge [sflag:s9], $0x20  }
0x11: {  	[sflag:s9] =	ssyncset.done $0x0  }
0x12: {  	[sflag:s9] =	ssyncadd.s32 $0xFFFFFFE0  }
0x13: {  	v3 =	vld [tilespmem:$0x0];
	_ =	sdelay $0x4  }
0x14: {  	v4 =	vshrl.u32 v3, $0x3  }
0x15: {  	v4 =	vmul.u32 $0x30, v4  }
0x16: {  	v3 =	vand.u32 $0x7, v3  }
0x17: {  	v3 =	vor.u32 v3, v4  }
0x18: {  	v4 =	vperm.xlane v3, v0;
	_ =	sdelay $0x1  }
0x19: {  	v4 =	vadd.s32 v1, v4;
	_ =	sdelay $0x3  }
0x1a: {  	v3 =	vperm.xlane v3, v2  }
0x1b: {  	[tilespmem:s10], [sflag:$0x1] =	stream.indirect_vreg.gather [hbm4b:s1+s3], $0x80, v4, vm0, $0xb8;
	[tilespmem:$0x6080] =	vst v63  }
0x1c: {  	v3 =	vadd.s32 v1, v3  }
0x1d: {  	[tilespmem:s11], [sflag:$0x1] =	stream.indirect_vreg.gather [hbm4b:s5+s3], $0x80, v4, vm0, $0xb8;
	[tilespmem:$0x6080] =	vst v63  }
0x1e: {  	_ = 	snop  }
0x1f: {  	[tilespmem:s12], [sflag:$0x1] =	stream.indirect_vreg.gather [hbm4b:s6+s3], $0x80, v4, vm0, $0xb8;
	[tilespmem:$0x6080] =	vst v63  }
0x20: {  	_ = 	snop  }
0x21: {  	[tilespmem:s13], [sflag:$0x1] =	stream.indirect_vreg.gather [hbm4b:s1+s3], $0x80, v3, vm0, $0xb8;
	[tilespmem:$0x6080] =	vst v63  }
0x22: {  	_ = 	snop  }
0x23: {  	[tilespmem:s14], [sflag:$0x1] =	stream.indirect_vreg.gather [hbm4b:s5+s3], $0x80, v3, vm0, $0xb8;
	[tilespmem:$0x6080] =	vst v63  }
0x24: {  	_ = 	snop  }
0x25: {  	[tilespmem:s15], [sflag:$0x1] =	stream.indirect_vreg.gather [hbm4b:s6+s3], $0x80, v3, vm0, $0xb8;
	[tilespmem:$0x6080] =	vst v63  }
0x26: {  	v3 =	vld [tilespmem:$0x10];
	_ =	sdelay $0x4  }
0x27: {  	v63 =	vshrl.u32 v3, $0x3  }
0x28: {  	v4 =	vmul.u32 $0x30, v63  }
0x29: {  	v3 =	vand.u32 $0x7, v3  }
0x2a: {  	v3 =	vor.u32 v3, v4  }
0x2b: {  	v4 =	vperm.xlane v3, v0;
	_ =	sdelay $0x1  }
0x2c: {  	v4 =	vadd.s32 v1, v4;
	_ =	sdelay $0x3  }
0x2d: {  	v3 =	vperm.xlane v3, v2  }
0x2e: {  	[tilespmem:s16], [sflag:$0x1] =	stream.indirect_vreg.gather [hbm4b:s1+s3], $0x80, v4, vm0, $0xb8;
	[tilespmem:$0x6080] =	vst v63  }
0x2f: {  	v3 =	vadd.s32 v1, v3  }
0x30: {  	[tilespmem:s17], [sflag:$0x1] =	stream.indirect_vreg.gather [hbm4b:s5+s3], $0x80, v4, vm0, $0xb8;
	[tilespmem:$0x6080] =	vst v63  }
0x31: {  	_ = 	snop  }
0x32: {  	[tilespmem:s18], [sflag:$0x1] =	stream.indirect_vreg.gather [hbm4b:s6+s3], $0x80, v4, vm0, $0xb8;
	[tilespmem:$0x6080] =	vst v63  }
0x33: {  	_ = 	snop  }
0x34: {  	[tilespmem:s19], [sflag:$0x1] =	stream.indirect_vreg.gather [hbm4b:s1+s3], $0x80, v3, vm0, $0xb8;
	[tilespmem:$0x6080] =	vst v63  }
0x35: {  	_ = 	snop  }
0x36: {  	[tilespmem:s20], [sflag:$0x1] =	stream.indirect_vreg.gather [hbm4b:s5+s3], $0x80, v3, vm0, $0xb8;
	[tilespmem:$0x6080] =	vst v63  }
0x37: {  	_ = 	snop  }
0x38: {  	[tilespmem:s21], [sflag:$0x1] =	stream.indirect_vreg.gather [hbm4b:s6+s3], $0x80, v3, vm0, $0xb8;
	[tilespmem:$0x6080] =	vst v63  }
0x39: {  	_ =	swait.ge [sflag:s22], $0x6000  }
0x3a: {  	p0 =	sne.s32 s8, $0x1;
	[sflag:s22] =	ssyncset.done $0x0  }
.Ltmp0:
0x3b: {  	[sflag:s22] =	ssyncadd.s32 $0xFFFFA000;
	(pc) =	sbr.rel @p0 .LBB2_1-.Ltmp0, $4  }
0x3c: {  	[hbm4b:s7+s3] =	stream.linear.scatter [tilespmem:s10], [sflag:$0x2], $0x6000, $0x38;
	[tilespmem:$0x6080] =	vst v63  }
0x3d: {  	_ =	swait.ge [sflag:s9], $0x6000  }
0x3e: {  	[sflag:s9] =	ssyncset.done $0x0  }
0x3f: {  	s8 =	sadd.s32 $0xFFFFFFFF, s8;
	[sflag:s9] =	ssyncadd.s32 $0xFFFFA000  }
0x40: {  	_ =	sfence.sel $0x180000  }
0x41: {  	[bflag:$0x0] =	sbarrier.arrive $0xFFFF  }
0x42: {  	p0 =	sne.s32 s2, $0x0;
	_ =	strace $0x90000047  }
0x43: {  	s0 =	sadd.s32 @!p0 $0x100000, s0;
	[bflag:$0x2] =	sbarrier.arrive $0xFFFF  }
0x44: {  	[sflag:s0] =	ssyncadd.tile.s32 @!p0 $0x1;
	_ =	shalt  }
.Lfunc_end2:
_tile_overlayer_lowered:
.L_overlay_start_2:
0x45: {  	(tag) =	ssettag $0x2  }
0x46: {  	s0 =	rddreg [dreg:$0x0];
	s2 =	stileid.u32  }
0x47: {  	s1 =	rddreg [dreg:$0x1];
	p0 =	sne.s32 s2, $0x0  }
0x48: {  	s3 =	rddreg [dreg:$0x2];
	[bflag:$0x3] =	sbarrier.arrive $0xFFFF;
	s2 =	simm.s32 @!p0 $0x1C02  }
0x49: {  	[timem:s3], [sflag:s2] =	dma.local @!p0 [hbm:s0], s1  }
0x4a: {  	s0 =	simm.s32 @!p0 $0x2  }
0x4b: {  	_ =	swait.ge @!p0 [sflag:s0], s1  }
0x4c: {  	s1 =	ssub.s32 @!p0 $0x0, s1;
	[sflag:s0] =	ssyncset.done @!p0 $0x0  }
0x4d: {  	[sflag:s0] =	ssyncadd.s32 @!p0 s1  }
0x4e: {  	[bflag:$0x3] =	sbarrier.arrive $0xFFFF  }
0x4f: {  	_ =	shalt  }

// kernel: sparse-core-data-format-call.cloned.1.call-start
scs
called_computation_lowered:
.L_overlay_start_0:
0x0: {  	s2 =	sld [smem:$0x3FD9]  }
0x1: {  	s3 =	sld [smem:$0x3FFE];
	_ =	sdelay $0x1  }
0x2: {  	s1 =	srdreg.scid  }
0x3: {  	s0 =	sand.u32 $0x1, s1  }
0x4: {  	s18 =	sshll.u32 s0, $0xA;
	s2 =	sadd.s32 s3, s2  }
0x5: {  	s2 =	sadd.s32 s2, s18  }
0x6: {  	[smem:$0x3FC5] =	sst s2  }
0x7: {  	_ = 	snop  }
0x8: {  	s2 =	sld [smem:$0x3FD0];
	(tm) =	ssettm $0x1  }
0x9: {  	s19 =	sld [smem:$0x3FFB];
	_ =	sdelay $0x3  }
0xa: {  	_ =	strace s19  }
0xb: {  	s3 =	sld [smem:$0x3FFC];
	_ =	sdelay $0x3  }
0xc: {  	_ =	strace s3  }
0xd: {  	s3 =	sld [smem:$0x3FFD];
	_ =	sdelay $0x3  }
0xe: {  	_ =	strace s3  }
0xf: {  	_ =	strace $0x8FFFFFFF  }
0x10: {  	s20 =	sld [smem:$0x3FDB];
	_ =	sdelay $0x1  }
0x11: {  	s4 =	simm.s32 $_scs_section_size  }
0x12: {  	s5 =	simm.s32 $_size__tile_overlayer_lowered;
	s6 =	simm.s32 $_tile_overlayer_lowered  }
0x13: {  	s23 =	simm.s32 $0x1BFF;
	s22 =	sshll.u32 s6, $0x1;
	s3 =	sadd.s32 s4, s20  }
0x14: {  	s7 =	simm.s32 $0x0;
	s21 =	sshll.u32 s5, $0x1;
	s5 =	sadd.s32 s22, s3  }
0x15: {  	[timem:s7], [sflag:s23] =	dma.local [hbm:s5], s21  }
0x16: {  	_ =	swait.ge [sflag:s23], s21  }
0x17: {  	s4 =	ssub.s32 $0x0, s21;
	[sflag:s23] =	ssyncset.done $0x0  }
0x18: {  	[sflag:s23] =	ssyncadd.s32 s4;
	_ =	sdelay $0x1  }
0x19: {  	s24 =	simm.s32 $0x1B8B  }
0x1a: {  	_ =	swait.ge [sflag:s24], $0x1  }
0x1b: {  	[sflag:s24] =	ssyncset.done $0x0  }
0x1c: {  	s26 =	simm.s32 $0x1B8E;
	s25 =	sld [smem:$0x3FFE];
	[sflag:s24] =	ssyncadd.s32 $0xFFFFFFFF  }
0x1d: {  	s27 =	simm.s32 $execute0_lowered;
	[smem:$0x3FD2] =	sst s26  }
0x1e: {  	s5 =	sshll.u32 s27, $0x1;
	_ =	strace $0x80000049;
	[dreg:$0x1] =	wrdreg $0xFFFFFFFF  }
0x1f: {  	s28 =	simm.s32 $_size_execute0_lowered;
	s3 =	sadd.s32 s3, s5;
	[dreg:$0x0] =	wrdreg $0x0  }
0x20: {  	s5 =	sshll.u32 s28, $0x1;
	[dreg:$0x2] =	wrdreg s3  }
0x21: {  	[dreg:$0x3] =	wrdreg s5  }
0x22: {  	[dreg:$0x4] =	wrdreg $0xC0  }
0x23: {  	_ =	task [dreg:s7], $0x5FFFF  }
0x24: {  	[dreg:$0x1] =	wrdreg $0xFFFFFFFF  }
0x25: {  	[dreg:$0x0] =	wrdreg $0x60  }
0x26: {  	[dreg:$0x2] =	wrdreg s25  }
0x27: {  	[dreg:$0x3] =	wrdreg s2  }
0x28: {  	[dreg:$0x4] =	wrdreg $0x9  }
0x29: {  	_ =	task.clear_ibuf [dreg:s7], $0x5FFFF;
	_ =	strace $0x90000049  }
0x2a: {  	s29 =	simm.s32 $0x9;
	_ =	strace $0x8000004B  }
0x2b: {  	_ =	swait.ge [sflag:s29], $0x1  }
0x2c: {  	[sflag:s29] =	ssyncadd.s32 $0xFFFFFFFF  }
0x2d: {  	_ =	strace $0x9000004B  }
0x2e: {  	_ =	sfence  }
0x2f: {  	s30 =	sld [smem:$0x0];
	_ =	sdelay $0x2  }
0x30: {  	s31 =	sshll.u32 s1, $0xD;
	s1 =	sshrl.u32 s1, $0x2  }
0x31: {  	s3 =	sand.u32 $0x4000, s31;
	s1 =	sadd.s32 s1, s30  }
0x32: {  	s0 =	sor.u32 s3, s0;
	s1 =	sshll.u32 s1, $0x11  }
0x33: {  	s0 =	sor.u32 s1, s0  }
0x34: {  	s0 =	sadd.s32 $0x8F2B, s0  }
0x35: {  	[sflag:s0] =	ssyncadd.remote.s32 $0x1  }
0x36: {  	_ =	sfence.sel $0xFFFF  }
0x37: {  	[dreg:$0x0] =	wrdreg $0xFFFFFFFF;
	(pc) =	sbr.abs _section_cstart, $3  }
0x38: {  	[dreg:$0x1] =	wrdreg $0xFFFFFFFF  }
0x39: {  	_ =	task.clear_ibuf [dreg:s7], $0x2FFFF;
	_ =	strace $0x9FFFFFFF  }
0x3a: {  	(tm) =	ssettm $0x7FFFFFFF  }
0x3b: {  	_ =	shalt  }
tec
execute0_lowered:
.L_overlay_start_1:
0x0: {  	(tag) =	ssettag $0x1  }
0x1: {  	s0 =	stileid.u32  }
0x2: {  	s1 =	srdreg.scid;
	s4 =	rddreg [dreg:$0x0]  }
0x3: {  	s2 =	rddreg [dreg:$0x1];
	s9 =	simm.s32 $0x1;
	s10 =	simm.s32 $0x2  }
0x4: {  	s19 =	simm.s32 $0x0;
	s11 =	simm.s32 $0x0;
	s21 =	simm.s32 $0x0  }
0x5: {  	s20 =	simm.s32 $0x0;
	s12 =	simm.s32 $0x0;
	s13 =	simm.s32 $0x0  }
0x6: {  	s14 =	simm.s32 $0x0;
	s3 =	sshll.u32 s0, $0x4;
	s1 =	sshll.u32 s1, $0x8  }
0x7: {  	s18 =	simm.s32 $0x0;
	s4 =	sadd.s32 $0xA00, s4;
	s3 =	sor.u32 s3, s1  }
0x8: {  	s5 =	sand.u32 $0x3, s0;
	s8 =	sshll.u32 s0, $0x5;
	s3 =	sand.u32 $0x180, s3  }
0x9: {  	s1 =	rddreg [dreg:$0x2];
	_ =	strace $0x8000004A;
	s7 =	ssub.s32 $0x7D00, s3  }
.Ltmp0:
0xa: {  	s8 =	sand.u32 $0x80, s8;
	s6 =	sand.u32 $0x180, s7;
	(pc) =	sbr.rel .LBB1_1-.Ltmp0, $4  }
0xb: {  	s17 =	smov.u32 s5;
	s16 =	smov.u32 s8;
	p0 =	sne.s32 s6, $0x0  }
0xc: {  	s7 =	sshrl.u32 s7, $0x9;
	s6 =	simm.s32 $0x1;
	s9 =	simm.s32 @!p0 $0x0  }
0xd: {  	s15 =	smov.u32 s3;
	[sflag:s6] =	ssyncpa.u1 $0x0;
	s7 =	sadd.s32 s9, s7  }
0xe: {  	[sflag:s10] =	ssyncpa.u1 $0x0;
	s10 =	simm.s32 $0x1F400;
	s9 =	sadd.s32 $0x1, s7  }
.LBB1_4:
0xf: {  	s25 =	sshrl.u32 s14, $0x2;
	s26 =	sshll.u32 s12, $0x2  }
0x10: {  	s27 =	sshll.u32 s14, $0x7;
	s28 =	sand.u32 $0x7F, s12;
	p0 =	sgt.s32 s13, $0x7F  }
0x11: {  	s30 =	sshra.s32 s13, $0x1F;
	p1 =	sgt.s32 s12, $0x7C80;
	s25 =	smul.u32 $0x1F400, s25  }
0x12: {  	s31 =	sshra.s32 s12, $0x1F;
	s26 =	sand.u32 $0xFFFFFE00, s26;
	s29 =	sand.u32 $0x180, s27  }
0x13: {  	s27 =	sand.u32 s30, s13;
	s25 =	sadd.s32 s25, s26;
	s26 =	smov.u32 s13  }
0x14: {  	s31 =	sand.u32 s31, s12;
	s25 =	sor.u32 s29, s25;
	s26 =	simm.s32 @!p0 $0x7F  }
0x15: {  	[tilespmem:v0+s24+$0xFFFFFFA0 ss:$0x1] =	vst.idx.msk $0xffff, v7;
	p0 =	sgt.s32 s14, $0x3;
	s29 =	sshra.s32 s14, $0x1F;
	s28 =	sor.u32 s28, s25  }
0x16: {  	v56 =	vld.idx.msk [tilespmem:v1+s23+$0x30 ss:$0x1], $0xffff;
	[tilespmem:v0+s24+$0xFFFFFFB0 ss:$0x1] =	vst.idx.msk $0xffff, v6;
	s26 =	ssub.s32 s26, s27;
	s27 =	smov.u32 s14;
	s29 =	sand.u32 s29, s14  }
0x17: {  	v57 =	vld.idx.msk [tilespmem:v1+s23+$0xFFFFFFC0 ss:$0x1], $0xffff;
	[tilespmem:v0+s24+$0xFFFFFFC0 ss:$0x1] =	vst.idx.msk $0xffff, v5;
	s25 =	smulhi.u32 $0x10624DD3, s25;
	s30 =	sadd.s32 $0xFFFFFF81, s26;
	s27 =	simm.s32 @!p0 $0x3  }
0x18: {  	v58 =	vld.idx.msk [tilespmem:v1+s23+$0xFFFFFFD0 ss:$0x1], $0xffff;
	[tilespmem:v0+s24+$0xFFFFFFD0 ss:$0x1] =	vst.idx.msk $0xffff, v3;
	s26 =	ssub.s32 $0xFF, s26;
	s27 =	ssub.s32 s27, s29;
	s29 =	smov.u32 s12  }
0x19: {  	v59 =	vld.idx.msk [tilespmem:v1+s23+$0xFFFFFFE0 ss:$0x1], $0xffff;
	[tilespmem:v0+s24+$0xFFFFFFE0 ss:$0x1] =	vst.idx.msk $0xffff, v2;
	p0 =	sgt.s32 s30, $0x7F;
	s30 =	sadd.s32 $0xFFFFFFFD, s27;
	s29 =	simm.s32 @!p1 $0x7C80  }
0x1a: {  	[tilespmem:v0+s24+$0xFFFFFFF0 ss:$0x1] =	vst.idx.msk $0xffff, v4;
	v60 =	vld.idx.msk [tilespmem:v1+s23+$0xFFFFFFF0 ss:$0x1], $0xffff;
	s27 =	ssub.s32 $0x4, s27;
	p1 =	sgt.s32 s30, $0x0;
	s30 =	smulhi.u32 $0x10624DD3, s28  }
0x1b: {  	v61 =	vld.idx.msk [tilespmem:v1+s23+$0x0 ss:$0x1], $0xffff;
	[tilespmem:v0+s23+$0x0 ss:$0x1] =	vst.idx.msk $0xffff, v56;
	s25 =	sshrl.u32 s25, $0xB;
	s26 =	simm.s32 @p0 $0x0;
	s27 =	simm.s32 @p1 $0x0  }
0x1c: {  	v62 =	vld.idx.msk [tilespmem:v1+s23+$0x10 ss:$0x1], $0xffff;
	[tilespmem:v0+s23+$0xFFFFFF90 ss:$0x1] =	vst.idx.msk $0xffff, v57;
	s24 =	ssub.s32 s29, s31;
	s31 =	sshrl.u32 s30, $0xB;
	s26 =	smul.u32 s27, s26  }
0x1d: {  	v63 =	vld.idx.msk [tilespmem:v1+s23+$0x20 ss:$0x1], $0xffff;
	[tilespmem:v0+s23+$0xFFFFFFA0 ss:$0x1] =	vst.idx.msk $0xffff, v58;
	s25 =	sand.u32 $0x3, s25;
	s30 =	sadd.s32 $0xFFFF8380, s24;
	s29 =	smul.u32 $0x7D00, s31  }
0x1e: {  	[tilespmem:v0+s23+$0xFFFFFFB0 ss:$0x1] =	vst.idx.msk $0xffff, v59;
	s24 =	ssub.s32 $0x7D00, s24;
	p0 =	sgt.s32 s30, $0x7F;
	s31 =	smul.u32 $0x3E80, s13  }
0x1f: {  	[tilespmem:v0+s23+$0xFFFFFFC0 ss:$0x1] =	vst.idx.msk $0xffff, v60;
	s25 =	smul.u32 $0xFA0, s25;
	s24 =	simm.s32 @p0 $0x0;
	s28 =	ssub.s32 s28, s29  }
0x20: {  	[tilespmem:v0+s23+$0xFFFFFFD0 ss:$0x1] =	vst.idx.msk $0xffff, v61;
	s24 =	smul.u32 s24, s26;
	s30 =	sadd.s32 s2, s31;
	s31 =	sand.u32 $0x7, s28  }
0x21: {  	[tilespmem:v0+s23+$0xFFFFFFE0 ss:$0x1] =	vst.idx.msk $0xffff, v62;
	s25 =	sadd.s32 s25, s30;
	s28 =	sshrl.u32 s28, $0x3;
	s27 =	sshll.u32 s31, $0x12  }
0x22: {  	[tilespmem:v0+s23+$0xFFFFFFF0 ss:$0x1] =	vst.idx.msk $0xffff, v63;
	s29 =	sand.u32 $0x3FFFFFFF, s24;
	s30 =	sadd.s32 s28, s25;
	s31 =	sor.u32 $0x80, s27  }
0x23: {  	[hbm4b:s30+s31] =	stream.strided.scatter [tilespmem:s22], [sflag:$0x2], s29, s10, s31, $0x38;
	[tilespmem:$0x10000] =	vst v63  }
.LBB1_5:
0x24: {  	p0 =	slt.u32 s18, $0x2  }
0x25: {  	s22 =	smov.u32 s21;
	p1 =	sgt.s32 @!p0 s21, $0x7F  }
0x26: {  	s23 =	sshra.s32 @!p0 s21, $0x1F;
	s24 =	sshra.s32 @!p0 s20, $0x1F;
	p1 =	por !p1, p0  }
0x27: {  	s21 =	sand.u32 @!p0 s23, s21;
	s22 =	simm.s32 @p1 $0x7F;
	p1 =	sgt.s32 @!p0 s20, $0x3  }
0x28: {  	s23 =	smov.u32 s20;
	p1 =	por !p1, p0;
	s21 =	ssub.s32 @!p0 s22, s21  }
0x29: {  	s20 =	sand.u32 @!p0 s24, s20;
	s23 =	simm.s32 @p1 $0x3;
	s22 =	sadd.s32 @!p0 $0xFFFFFF81, s21  }
0x2a: {  	p1 =	sgt.s32 @!p0 s19, $0x7C80;
	s20 =	ssub.s32 @!p0 s23, s20;
	p2 =	sgt.s32 @!p0 s22, $0x7F  }
0x2b: {  	p1 =	por !p1, p0;
	s23 =	smov.u32 s19;
	s22 =	sadd.s32 @!p0 $0xFFFFFFFD, s20  }
0x2c: {  	s23 =	simm.s32 @p1 $0x7C80;
	p1 =	sgt.s32 @!p0 s22, $0x0;
	s22 =	sshra.s32 @!p0 s19, $0x1F  }
0x2d: {  	s21 =	ssub.s32 @!p0 $0xFF, s21;
	p2 =	por !p2, p0;
	s19 =	sand.u32 @!p0 s22, s19  }
0x2e: {  	s20 =	ssub.s32 @!p0 $0x4, s20;
	p1 =	por !p1, p0;
	s19 =	ssub.s32 @!p0 s23, s19  }
0x2f: {  	s21 =	simm.s32 @!p2 $0x0;
	s20 =	simm.s32 @!p1 $0x0;
	s22 =	sadd.s32 @!p0 $0xFFFF8380, s19  }
0x30: {  	s23 =	smov.u32 s16;
	s20 =	smul.u32 @!p0 s20, s21;
	p1 =	sgt.s32 @!p0 s22, $0x7F  }
0x31: {  	s19 =	ssub.s32 @!p0 $0x7D00, s19;
	s22 =	sadd.s32 $0x200, s15;
	p1 =	por !p1, p0  }
0x32: {  	s21 =	sadd.s32 $0x100, s16;
	s19 =	simm.s32 @!p1 $0x0;
	p1 =	sgt.s32 s22, $0x7CFF  }
0x33: {  	s24 =	smov.u32 s17;
	s23 =	smov.u32 @p1 s21  }
0x34: {  	s19 =	smul.u32 @!p0 s19, s20;
	s20 =	sadd.s32 $0x4, s17;
	p2 =	sgt.s32 s23, $0xFE  }
0x35: {  	s11 =	sadd.s32 $0x4000, s11;
	s25 =	simm.s32 @!p0 $0x2;
	s24 =	smov.u32 @p2 s20  }
0x36: {  	s22 =	smov.u32 @p1 s3;
	s21 =	smov.u32 s13;
	p1 =	sgt.s32 s24, $0x3  }
0x37: {  	s13 =	smov.u32 s16;
	s24 =	smov.u32 @p1 s5;
	p1 =	sne.s32 s18, s9  }
.Ltmp1:
0x38: {  	s19 =	sand.u32 @!p0 $0x3FFFFFFF, s19;
	s23 =	smov.u32 @p2 s8;
	(pc) =	sbr.rel @!p1 .LBB1_6-.Ltmp1, $4  }
0x39: {  	s20 =	smov.u32 s14;
	s14 =	smov.u32 s17;
	_ =	swait.ge @!p0 [sflag:s25], s19  }
0x3a: {  	s26 =	ssub.s32 @!p0 $0x0, s19;
	s19 =	smov.u32 s12;
	s12 =	smov.u32 s15  }
0x3b: {  	s15 =	smov.u32 s22;
	s16 =	smov.u32 s23;
	[sflag:s25] =	ssyncset.done @!p0 $0x0  }
0x3c: {  	s18 =	sadd.s32 $0x1, s18;
	[sflag:s25] =	ssyncadd.s32 @!p0 s26;
	s17 =	smov.u32 s24  }
.LBB1_1:
0x3d: {  	p0 =	sge.u32 s18, s7  }
0x3e: {  	s22 =	sshrl.u32 @!p0 s16, $0x3  }
0x3f: {  	s23 =	sshll.u32 @!p0 s15, $0x3;
	s22 =	smul.u32 @!p0 $0x3E800, s22  }
0x40: {  	s24 =	sshll.u32 @!p0 s16, $0x7;
	s23 =	sand.u32 @!p0 $0xFFFFFC00, s23  }
0x41: {  	s22 =	sadd.s32 @!p0 s22, s23;
	s23 =	sand.u32 @!p0 $0x380, s24  }
0x42: {  	s24 =	sand.u32 @!p0 $0x7F, s15;
	s22 =	sor.u32 @!p0 s23, s22  }
0x43: {  	s23 =	sor.u32 @!p0 s24, s22  }
0x44: {  	s24 =	smulhi.u32 @!p0 $0x10624DD3, s23  }
0x45: {  	s22 =	smulhi.u32 @!p0 $0x10624DD3, s22  }
0x46: {  	s24 =	sshrl.u32 @!p0 s24, $0xB  }
0x47: {  	s31 =	sadd.s32 $0xFFFFFFFF, s18;
	s22 =	sshrl.u32 @!p0 s22, $0xB;
	s24 =	smul.u32 @!p0 $0x7D00, s24  }
0x48: {  	s25 =	sxor.u32 @!p0 $0xFFFFFFFF, s18;
	s26 =	smul.u32 @!p0 $0xFA000, s17;
	s22 =	sand.u32 @!p0 $0xFF, s22  }
0x49: {  	s25 =	sshll.u32 @!p0 s25, $0xE;
	s22 =	smul.u32 @!p0 $0xFA0, s22;
	s23 =	ssub.s32 @!p0 s23, s24  }
0x4a: {  	s24 =	sand.u32 @!p0 $0x4000, s25;
	s25 =	sadd.s32 @!p0 s4, s26;
	s26 =	sand.u32 @!p0 $0x7, s23  }
0x4b: {  	s23 =	sshrl.u32 @!p0 s23, $0x3;
	s22 =	sadd.s32 @!p0 s22, s25;
	s25 =	sshll.u32 @!p0 s26, $0x12  }
0x4c: {  	s22 =	sadd.s32 @!p0 s23, s22;
	s23 =	sor.u32 @!p0 $0x400, s25;
	s25 =	simm.s32 @!p0 $0x3E800  }
0x4d: {  	[tilespmem:s24], [sflag:$0x1] =	stream.strided.gather @!p0 [hbm4b:s22+s23], $0x4000, s25, s23, $0x38;
	[tilespmem:$0x10000] =	vst v63  }
0x4e: {  	p0 =	sge.u32 s31, s7  }
.Ltmp2:
0x4f: {  	_ = 	snop;
	(pc) =	sbr.rel @p0 .LBB1_5-.Ltmp2, $1  }
0x50: {  	_ =	sdelay $0x3  }
0x51: {  	s22 =	sand.u32 $0x4000, s11  }
0x52: {  	s23 =	sor.u32 $0x40, s22  }
0x53: {  	v1 =	vmov s23;
	_ =	sdelay $0x1  }
0x54: {  	_ =	swait.ge [sflag:s6], $0x4000  }
0x55: {  	[sflag:s6] =	ssyncset.done $0x0  }
0x56: {  	s24 =	simm.s32 $0x0;
	[sflag:s6] =	ssyncadd.s32 $0xFFFFC000  }
0x57: {  	s22 =	sor.u32 $0x8070, s22;
	v4 =	vld.idx.msk [tilespmem:v1+s24+$0x30 ss:$0x1], $0xffff  }
0x58: {  	v0 =	vmov s22;
	v8 =	vld.idx.msk [tilespmem:v1+s24+$0xFFFFFFC0 ss:$0x1], $0xffff  }
0x59: {  	v7 =	vld.idx.msk [tilespmem:v1+s24+$0xFFFFFFD0 ss:$0x1], $0xffff  }
0x5a: {  	v6 =	vld.idx.msk [tilespmem:v1+s24+$0xFFFFFFE0 ss:$0x1], $0xffff  }
0x5b: {  	v5 =	vld.idx.msk [tilespmem:v1+s24+$0xFFFFFFF0 ss:$0x1], $0xffff  }
0x5c: {  	s31 =	sshll.u32 s18, $0xE;
	v3 =	vld.idx.msk [tilespmem:v1+s24+$0x0 ss:$0x1], $0xffff  }
0x5d: {  	s22 =	sand.u32 $0x4000, s31;
	v2 =	vld.idx.msk [tilespmem:v1+s24+$0x10 ss:$0x1], $0xffff;
	[tilespmem:v0+s24+$0x0 ss:$0x1] =	vst.idx.msk $0xffff, v4  }
0x5e: {  	s25 =	simm.s32 $0x400;
	s23 =	simm.s32 $0x80;
	s22 =	sor.u32 $0x8000, s22;
	[tilespmem:v0+s24+$0xFFFFFF90 ss:$0x1] =	vst.idx.msk $0xffff, v8;
	v4 =	vld.idx.msk [tilespmem:v1+s24+$0x20 ss:$0x1], $0xffff  }
.LBB1_3:
0x5f: {  	p0 =	sne.s32 s25, $0xFE00;
	v8 =	vld.idx.msk [tilespmem:v1+s23+$0x30 ss:$0x1], $0xffff;
	[tilespmem:v0+s24+$0xFFFFFFA0 ss:$0x1] =	vst.idx.msk $0xffff, v7  }
0x60: {  	v9 =	vld.idx.msk [tilespmem:v1+s23+$0xFFFFFFC0 ss:$0x1], $0xffff;
	[tilespmem:v0+s24+$0xFFFFFFB0 ss:$0x1] =	vst.idx.msk $0xffff, v6  }
0x61: {  	v7 =	vld.idx.msk [tilespmem:v1+s23+$0xFFFFFFD0 ss:$0x1], $0xffff;
	[tilespmem:v0+s24+$0xFFFFFFC0 ss:$0x1] =	vst.idx.msk $0xffff, v5  }
.Ltmp3:
0x62: {  	v6 =	vld.idx.msk [tilespmem:v1+s23+$0xFFFFFFE0 ss:$0x1], $0xffff;
	[tilespmem:v0+s24+$0xFFFFFFD0 ss:$0x1] =	vst.idx.msk $0xffff, v3;
	(pc) =	sbr.rel @p0 .LBB1_3-.Ltmp3, $4  }
0x63: {  	v5 =	vld.idx.msk [tilespmem:v1+s23+$0xFFFFFFF0 ss:$0x1], $0xffff;
	[tilespmem:v0+s24+$0xFFFFFFE0 ss:$0x1] =	vst.idx.msk $0xffff, v2  }
0x64: {  	v3 =	vld.idx.msk [tilespmem:v1+s23+$0x0 ss:$0x1], $0xffff;
	[tilespmem:v0+s24+$0xFFFFFFF0 ss:$0x1] =	vst.idx.msk $0xffff, v4;
	s24 =	smov.u32 s23  }
0x65: {  	v2 =	vld.idx.msk [tilespmem:v1+s24+$0x10 ss:$0x1], $0xffff;
	[tilespmem:v0+s24+$0x0 ss:$0x1] =	vst.idx.msk $0xffff, v8  }
0x66: {  	s23 =	sshra.s32 s25, $0x2;
	s25 =	sadd.s32 $0x200, s25;
	[tilespmem:v0+s24+$0xFFFFFF90 ss:$0x1] =	vst.idx.msk $0xffff, v9;
	v4 =	vld.idx.msk [tilespmem:v1+s24+$0x20 ss:$0x1], $0xffff  }
.Ltmp4:
0x67: {  	_ = 	snop;
	(pc) =	sbr.rel .LBB1_4-.Ltmp4, $1  }
0x68: {  	_ =	sdelay $0x3  }
.LBB1_6:
0x69: {  	_ =	sfence.sel $0x180000  }
0x6a: {  	s2 =	simm.s32 $0x1;
	[bflag:$0x0] =	sbarrier.arrive $0xFFFF  }
0x6b: {  	s31 =	simm.s32 $0x2;
	[sflag:s2] =	ssyncpa.u1 $0x1  }
0x6c: {  	[sflag:s31] =	ssyncpa.u1 $0x1  }
0x6d: {  	p0 =	sne.s32 s0, $0x0;
	_ =	strace $0x9000004A  }
0x6e: {  	s0 =	sadd.s32 @!p0 $0x100000, s1;
	[bflag:$0x2] =	sbarrier.arrive $0xFFFF  }
0x6f: {  	[sflag:s0] =	ssyncadd.tile.s32 @!p0 $0x1;
	_ =	shalt  }
.Lfunc_end1:
_tile_overlayer_lowered:
.L_overlay_start_2:
0x70: {  	(tag) =	ssettag $0x2  }
0x71: {  	s0 =	rddreg [dreg:$0x0];
	s2 =	stileid.u32  }
0x72: {  	s1 =	rddreg [dreg:$0x1];
	p0 =	sne.s32 s2, $0x0  }
0x73: {  	s3 =	rddreg [dreg:$0x2];
	[bflag:$0x3] =	sbarrier.arrive $0xFFFF;
	s2 =	simm.s32 @!p0 $0x1C01  }
0x74: {  	[timem:s3], [sflag:s2] =	dma.local @!p0 [hbm:s0], s1  }
0x75: {  	s0 =	simm.s32 @!p0 $0x1  }
0x76: {  	_ =	swait.ge @!p0 [sflag:s0], s1  }
0x77: {  	s1 =	ssub.s32 @!p0 $0x0, s1;
	[sflag:s0] =	ssyncset.done @!p0 $0x0  }
0x78: {  	[sflag:s0] =	ssyncadd.s32 @!p0 s1  }
0x79: {  	[bflag:$0x3] =	sbarrier.arrive $0xFFFF  }
0x7a: {  	_ =	shalt  }

</sc_bundles>
